<compile_context>
chip_gen: v7x
topology: tpu7x:2x2x1
jax: 0.10.2.dev20260603
libtpu: 0.0.44.dev20260713+nightly
codegen_flags: <defaults>
</compile_context>

<pallas_src>
import functools

import jax
import jax.numpy as jnp
from jax import lax
from jax.experimental import pallas as pl
from jax.experimental.pallas import tpu as pltpu
from jax.experimental.pallas import tpu_sc as plsc

N_NODES = 10000
NP = 10240
N_EDGES = 640000
NW = 32
TPW = 160
ICH = 32
EPT = TPW * 128
EP = NW * EPT
PAD_ROW = NP - 1
NUM_GRAPHS = 64

BA = 128
GA = NP // BA
BC = 1024
BE = 1024
ROWS_PER_TILE = NP // 16


def _cnn_body(x_ref, wrow_ref, cb_ref, l1w_ref, l1b_ref, gw_ref, out_ref):
    bf16 = jnp.bfloat16
    xr = x_ref[...]
    rows = jnp.concatenate(
        [xr[:, 0:16, :], xr[:, 1:17, :], xr[:, 2:18, :]], axis=2
    ).reshape(BA * 16, 162)
    a = jnp.dot(rows.astype(bf16), wrow_ref[...],
                preferred_element_type=jnp.float32)
    a = jnp.maximum(a + cb_ref[...], 0.0)
    a5 = a.reshape(BA, 8, 2, 16, 32)
    m1 = jnp.max(a5, axis=2)
    m2 = jnp.max(m1.reshape(BA, 8, 8, 2, 32), axis=3)
    flat = m2.reshape(BA, 2048)
    feats = jnp.maximum(
        jnp.dot(flat, l1w_ref[...], preferred_element_type=jnp.float32)
        + l1b_ref[...], 0.0)
    out_ref[...] = jnp.dot(feats, gw_ref[...],
                           preferred_element_type=jnp.float32)


def _run_cnn(xt_pad, wrow, cb_cols, l1w, l1b, gw):
    return pl.pallas_call(
        _cnn_body,
        grid=(GA,),
        in_specs=[
            pl.BlockSpec((BA, 18, 54), lambda i: (i, 0, 0)),
            pl.BlockSpec((162, 512), lambda i: (0, 0)),
            pl.BlockSpec((1, 512), lambda i: (0, 0)),
            pl.BlockSpec((2048, 64), lambda i: (0, 0)),
            pl.BlockSpec((1, 64), lambda i: (0, 0)),
            pl.BlockSpec((64, 128), lambda i: (0, 0)),
        ],
        out_specs=pl.BlockSpec((BA, 128), lambda i: (i, 0)),
        out_shape=jax.ShapeDtypeStruct((NP, 128), jnp.float32),
    )(xt_pad, wrow, cb_cols, l1w, l1b, gw)


BD = 8192
ND = EP // BD


def _deg_body(dst_ref, out_ref, acc):
    pid = pl.program_id(0)

    @pl.when(pid == 0)
    def _init():
        acc[...] = jnp.zeros_like(acc)

    d = dst_ref[...]
    hi = d // 128
    lo = d - hi * 128
    oh_hi = (hi == lax.broadcasted_iota(jnp.int32, (BD, NP // 128), 1)
             ).astype(jnp.bfloat16)
    oh_lo = (lo == lax.broadcasted_iota(jnp.int32, (BD, 128), 1)
             ).astype(jnp.bfloat16)
    acc[...] += lax.dot_general(oh_hi, oh_lo, (((0,), (0,)), ((), ())),
                                preferred_element_type=jnp.float32)

    @pl.when(pid == ND - 1)
    def _fin():
        out_ref[...] = acc[...]


def _run_deg(dst2):
    return pl.pallas_call(
        _deg_body,
        grid=(ND,),
        in_specs=[pl.BlockSpec((BD, 1), lambda i: (i, 0))],
        out_specs=pl.BlockSpec((NP // 128, 128), lambda i: (0, 0)),
        out_shape=jax.ShapeDtypeStruct((NP // 128, 128), jnp.float32),
        scratch_shapes=[pltpu.VMEM((NP // 128, 128), jnp.float32)],
    )(dst2)


def _scale_body(hw_ref, deg_ref, out_ref):
    deg = deg_ref[...] + 1.0
    dinv = lax.rsqrt(deg)
    rid = (pl.program_id(0) * BC
           + lax.broadcasted_iota(jnp.int32, (BC, 1), 0))
    hs = hw_ref[...] * dinv
    out_ref[...] = jnp.where(rid < N_NODES, hs, 0.0)


def _run_scale(hw, deg):
    return pl.pallas_call(
        _scale_body,
        grid=(NP // BC,),
        in_specs=[
            pl.BlockSpec((BC, 128), lambda i: (i, 0)),
            pl.BlockSpec((BC, 1), lambda i: (i, 0)),
        ],
        out_specs=pl.BlockSpec((BC, 128), lambda i: (i, 0)),
        out_shape=jax.ShapeDtypeStruct((NP, 128), jnp.float32),
    )(hw, deg)


CH = 256
NCH = EPT // CH


def _scatter_body(hs_hbm, edges_hbm, zeros_hbm, out_hbm,
                  eidx, buf, pre_sp):
    cid = lax.axis_index("c")
    sid = lax.axis_index("s")
    wid = sid * 2 + cid
    pltpu.sync_copy(
        zeros_hbm, pre_sp.at[pl.ds(sid * ROWS_PER_TILE, ROWS_PER_TILE)])
    plsc.subcore_barrier()

    def body(j, carry):
        off = (wid * NCH + j) * 2 * CH
        pltpu.sync_copy(edges_hbm.at[pl.ds(off, 2 * CH)], eidx)
        pltpu.sync_copy(hs_hbm.at[eidx.at[pl.ds(0, CH)]], buf)
        pltpu.sync_copy(buf, pre_sp.at[eidx.at[pl.ds(CH, CH)]], add=True)
        return carry

    lax.fori_loop(0, NCH, body, 0)
    plsc.subcore_barrier()
    pltpu.sync_copy(
        pre_sp.at[pl.ds(sid * ROWS_PER_TILE, ROWS_PER_TILE)],
        out_hbm.at[pl.ds(cid * NP + sid * ROWS_PER_TILE, ROWS_PER_TILE)])


def _run_scatter(hs, edges, zeros640):
    mesh = plsc.VectorSubcoreMesh(core_axis_name="c", subcore_axis_name="s")
    return pl.kernel(
        _scatter_body,
        out_type=jax.ShapeDtypeStruct((2 * NP, 128), jnp.float32),
        mesh=mesh,
        scratch_types=[
            pltpu.VMEM((2 * CH,), jnp.int32),
            pltpu.VMEM((CH, 128), jnp.float32),
            pltpu.VMEM_SHARED((NP, 128), jnp.float32),
        ],
    )(hs, edges, zeros640)


def _pool_body(pa_ref, pb_ref, hw_ref, deg_ref, b_ref, gb_ref,
               m1w_ref, m1b_ref, m2w_ref, m2b_ref, out_ref,
               acc_s, acc_c):
    pid = pl.program_id(0)

    @pl.when(pid == 0)
    def _init():
        acc_s[...] = jnp.zeros_like(acc_s)
        acc_c[...] = jnp.zeros_like(acc_c)

    deg = deg_ref[...] + 1.0
    dinv = lax.rsqrt(deg)
    h = jnp.maximum(
        dinv * (pa_ref[...] + pb_ref[...])
        + dinv * dinv * hw_ref[...] + gb_ref[...], 0.0)
    rid = pid * BE + lax.broadcasted_iota(jnp.int32, (BE, 1), 0)
    gid = lax.broadcasted_iota(jnp.int32, (BE, NUM_GRAPHS), 1)
    oh = jnp.where((b_ref[...] == gid) & (rid < N_NODES), 1.0, 0.0)
    acc_s[...] += lax.dot_general(
        oh, h, (((0,), (0,)), ((), ())),
        preferred_element_type=jnp.float32)
    acc_c[...] += lax.dot_general(
        oh, jnp.ones_like(h), (((0,), (0,)), ((), ())),
        preferred_element_type=jnp.float32)

    @pl.when(pid == (NP // BE) - 1)
    def _fin():
        g = acc_s[...] / jnp.maximum(acc_c[...], 1.0)
        t = jnp.maximum(
            jnp.dot(g, m1w_ref[...], preferred_element_type=jnp.float32)
            + m1b_ref[...], 0.0)
        out_ref[...] = (jnp.dot(t, m2w_ref[...],
                                preferred_element_type=jnp.float32)
                        + m2b_ref[...])


def _run_pool(pa, pb, hw, deg, batch2, gb, m1w, m1b, m2w, m2b):
    blk = lambda r, c: pl.BlockSpec((BE, c), lambda i: (i, 0))
    full = lambda r, c: pl.BlockSpec((r, c), lambda i: (0, 0))
    return pl.pallas_call(
        _pool_body,
        grid=(NP // BE,),
        in_specs=[
            blk(NP, 128), blk(NP, 128), blk(NP, 128),
            blk(NP, 1), blk(NP, 1),
            full(1, 128), full(128, 64), full(1, 64),
            full(64, 2), full(1, 2),
        ],
        out_specs=pl.BlockSpec((NUM_GRAPHS, 2), lambda i: (0, 0)),
        out_shape=jax.ShapeDtypeStruct((NUM_GRAPHS, 2), jnp.float32),
        scratch_shapes=[
            pltpu.VMEM((NUM_GRAPHS, 128), jnp.float32),
            pltpu.VMEM((NUM_GRAPHS, 128), jnp.float32),
        ],
    )(pa, pb, hw, deg, batch2, gb, m1w, m1b, m2w, m2b)


def kernel(x, edge_index, batch, conv_w, conv_b, lin1_w, lin1_b,
           gcn_w, gcn_b, mlp1_w, mlp1_b, mlp2_w, mlp2_b):
    f32 = jnp.float32
    w4 = conv_w.transpose(2, 3, 1, 0)
    wrow = jnp.zeros((3, 18, 3, 16, 32), f32)
    for j in range(16):
        wrow = wrow.at[:, j:j + 3, :, j, :].set(w4)
    wrow = wrow.reshape(162, 512)
    cb_cols = jnp.tile(conv_b, 16).reshape(1, 512)
    l1w = lin1_w.reshape(32, 8, 8, 64).transpose(1, 2, 0, 3).reshape(2048, 64)

    xt = x.transpose(0, 2, 3, 1).reshape(N_NODES, 16, 48)
    xt = jnp.pad(xt, ((0, NP - N_NODES), (1, 1), (3, 3)))

    ei = edge_index.astype(jnp.int32)
    pad = jnp.full((2, EP - N_EDGES,), PAD_ROW, jnp.int32)
    ev = jnp.concatenate([ei, pad], axis=1)
    dstf = ev[1]
    edges = ev.reshape(2, NW, NCH, CH).transpose(1, 2, 0, 3).reshape(-1)
    batch2 = jnp.pad(batch.astype(jnp.int32),
                     (0, NP - N_NODES)).reshape(NP, 1)
    zeros640 = jnp.zeros((ROWS_PER_TILE, 128), f32)

    bf16 = jnp.bfloat16
    hw = _run_cnn(xt, wrow.astype(bf16), cb_cols, l1w,
                  lin1_b.reshape(1, 64), gcn_w)
    deg = _run_deg(dstf.reshape(EP, 1)).reshape(NP, 1)
    hs = _run_scale(hw, deg)
    pre = _run_scatter(hs, edges, zeros640)
    out = _run_pool(pre[:NP], pre[NP:], hw, deg, batch2,
                    gcn_b.reshape(1, 128), mlp1_w,
                    mlp1_b.reshape(1, 64), mlp2_w, mlp2_b.reshape(1, 2))
    return out

# --- scband reference (transcript-rebuilt; emitter-appended) ---
"""Pipeline reference for scband-facial-gnn-88768384073894 (READ-ONLY COPY).

The authoritative reference and input builder live on the scoring server;
editing this copy changes nothing except your own understanding.
"""

import jax, jax.numpy as jnp
import numpy as np

NUM_KERNELS = 32
PATCH_SIZE = 16
N_NODES = 10000
N_EDGES = 640000
NUM_GRAPHS = 64
IN_CH = 3
FEATURE_DIM = 64
GCN_HIDDEN = 128
OUTPUT_DIM = 2


def setup_inputs(seed: int = 0):
    key = jax.random.key(seed)
    ks = jax.random.split(key, 9)
    flat_dim = NUM_KERNELS * (PATCH_SIZE // 2) * (PATCH_SIZE // 2)
    return {
        "x": jax.random.normal(ks[0], (N_NODES, IN_CH, PATCH_SIZE, PATCH_SIZE), dtype=jnp.float32),
        "edge_index": jax.random.randint(ks[1], (2, N_EDGES), 0, N_NODES),
        "batch": jnp.sort(jax.random.randint(ks[2], (N_NODES,), 0, NUM_GRAPHS)),
        "conv_w": jax.random.normal(ks[3], (NUM_KERNELS, IN_CH, 3, 3), dtype=jnp.float32) * 0.1,
        "conv_b": jax.random.normal(ks[4], (NUM_KERNELS,), dtype=jnp.float32) * 0.1,
        "lin1_w": jax.random.normal(ks[5], (flat_dim, FEATURE_DIM), dtype=jnp.float32) * 0.02,
        "lin1_b": jnp.zeros((FEATURE_DIM,), dtype=jnp.float32),
        "gcn_w": jax.random.normal(ks[6], (FEATURE_DIM, GCN_HIDDEN), dtype=jnp.float32) * 0.05,
        "gcn_b": jnp.zeros((GCN_HIDDEN,), dtype=jnp.float32),
        "mlp1_w": jax.random.normal(ks[7], (GCN_HIDDEN, GCN_HIDDEN // 2), dtype=jnp.float32) * 0.05,
        "mlp1_b": jnp.zeros((GCN_HIDDEN // 2,), dtype=jnp.float32),
        "mlp2_w": jax.random.normal(ks[8], (GCN_HIDDEN // 2, OUTPUT_DIM), dtype=jnp.float32) * 0.05,
        "mlp2_b": jnp.zeros((OUTPUT_DIM,), dtype=jnp.float32),
    }


def _cnn(x, conv_w, conv_b, lin1_w, lin1_b):
    a = jax.lax.conv_general_dilated(
        x, conv_w, window_strides=(1, 1), padding="SAME",
        dimension_numbers=("NCHW", "OIHW", "NCHW")) + conv_b[None, :, None, None]
    h = jnp.maximum(a, 0.0)
    h = jax.lax.reduce_window(h, -jnp.inf, jax.lax.max, (1, 1, 2, 2), (1, 1, 2, 2), "VALID")
    h = h.reshape(h.shape[0], -1)
    return jnp.maximum(h @ lin1_w + lin1_b, 0.0)


def _gcn(h, edge_index, W, b, n):
    loop = jnp.arange(n)
    src = jnp.concatenate([edge_index[0], loop])
    dst = jnp.concatenate([edge_index[1], loop])
    deg = jax.ops.segment_sum(jnp.ones_like(dst, dtype=h.dtype), dst, num_segments=n)
    dinv = jnp.where(deg > 0, jax.lax.rsqrt(deg), 0.0)
    norm = dinv[src] * dinv[dst]
    hw = h @ W
    msg = hw[src] * norm[:, None]
    return jax.ops.segment_sum(msg, dst, num_segments=n) + b


def reference(x, edge_index, batch, conv_w, conv_b, lin1_w, lin1_b, gcn_w, gcn_b, mlp1_w, mlp1_b, mlp2_w, mlp2_b):
    n = x.shape[0]
    feats = _cnn(x, conv_w, conv_b, lin1_w, lin1_b)
    h = _gcn(feats, edge_index, gcn_w, gcn_b, n)
    h = jnp.maximum(h, 0.0)
    sums = jax.ops.segment_sum(h, batch, num_segments=NUM_GRAPHS)
    cnt = jax.ops.segment_sum(jnp.ones((n,), dtype=h.dtype), batch, num_segments=NUM_GRAPHS)
    g = sums / jnp.clip(cnt, 1.0)[:, None]
    out = jnp.maximum(g @ mlp1_w + mlp1_b, 0.0) @ mlp2_w + mlp2_b
    return out

if __name__ == "__main__":
    import jax
    _d = setup_inputs()
    print(jax.jit(kernel)(*tuple(_d.values())))

</pallas_src>

<mosaic_0001>
#map = affine_map<(d0, d1) -> (0, 0)>
#map1 = affine_map<(d0, d1) -> (0)>
module attributes {stable_mosaic.version = 14 : i64} {
  func.func @_scatter_body(%arg0: i32, %arg1: i32, %arg2: memref<10240x128xf32, #tpu.memory_space<hbm>>, %arg3: memref<1310720xi32, #tpu.memory_space<hbm>>, %arg4: memref<640x128xf32, #tpu.memory_space<hbm>>, %arg5: memref<20480x128xf32, #tpu.memory_space<hbm>>, %arg6: memref<512xi32, #tpu.memory_space<vmem>>, %arg7: memref<256x128xf32, #tpu.memory_space<vmem>>, %arg8: memref<10240x128xf32, #tpu.memory_space<vmem_shared>>) attributes {dimension_semantics = [#tpu.dimension_semantics<core_parallel>, #tpu.dimension_semantics<subcore_parallel>], iteration_bounds = array<i64: 2, 16>, scalar_prefetch = 0 : i64, scratch_operands = 3 : i64, tpu.core_type = #tpu.core_type<sc_vector_subcore>, window_params = [{transform_indices = #map}, {transform_indices = #map1}, {transform_indices = #map}, {transform_indices = #map}]} {
    %mul3A = arith.constant 2 : i32
    %mul3A_0 = arith.muli %arg1, %mul3A : i32
    %add3A = arith.addi %mul3A_0, %arg0 : i32
    %mul3A_1 = arith.constant 640 : i32
    %mul3A_2 = arith.muli %arg1, %mul3A_1 : i32
    "tpu.region"() ({
      %run_scoped3A = tpu.sem_alloc : memref<!tpu.dma_semaphore, #tpu.memory_space<semaphore_mem>>
      %dma_start3A = arith.constant 0 : i32
      %dma_start3A_16 = tpu.memref_slice %arg8[%mul3A_2, %dma_start3A] : memref<10240x128xf32, #tpu.memory_space<vmem_shared>> -> memref<640x128xf32, #tpu.memory_space<vmem_shared>>
      tpu.enqueue_dma source(%arg4 : memref<640x128xf32, #tpu.memory_space<hbm>>) target(%dma_start3A_16 : memref<640x128xf32, #tpu.memory_space<vmem_shared>>) target_semaphore(%run_scoped3A : memref<!tpu.dma_semaphore, #tpu.memory_space<semaphore_mem>>)
      %dma_wait3A = arith.constant 0 : i32
      %dma_wait3A_17 = tpu.memref_slice %arg8[%mul3A_2, %dma_wait3A] : memref<10240x128xf32, #tpu.memory_space<vmem_shared>> -> memref<640x128xf32, #tpu.memory_space<vmem_shared>>
      tpu.wait_dma2 semaphore(%run_scoped3A : memref<!tpu.dma_semaphore, #tpu.memory_space<semaphore_mem>>) src(%arg4 : memref<640x128xf32, #tpu.memory_space<hbm>>) dst(%dma_wait3A_17 : memref<640x128xf32, #tpu.memory_space<vmem_shared>>)
      tpu.yield
    }) : () -> ()
    %barrier3A = arith.constant 0 : index
    tpu.barrier barrier_id(%barrier3A)
    %scan3A = arith.constant 0 : i32
    %scan3A_3 = arith.constant 0 : i32
    %scan3A_4 = arith.constant 80 : i32
    %scan3A_5 = arith.addi %scan3A_3, %scan3A_4 : i32
    %scan3A_6 = arith.constant 1 : i32
    scf.for %scan3A_16 = %scan3A_3 to %scan3A_5 step %scan3A_6  : i32 {
      %mul3A_17 = arith.constant 80 : i32
      %mul3A_18 = arith.muli %add3A, %mul3A_17 : i32
      %add3A_19 = arith.addi %mul3A_18, %scan3A_16 : i32
      %mul3A_20 = arith.constant 2 : i32
      %mul3A_21 = arith.muli %add3A_19, %mul3A_20 : i32
      %mul3A_22 = arith.constant 256 : i32
      %mul3A_23 = arith.muli %mul3A_21, %mul3A_22 : i32
      "tpu.region"() ({
        %run_scoped3A = tpu.sem_alloc : memref<!tpu.dma_semaphore, #tpu.memory_space<semaphore_mem>>
        %dma_start3A = tpu.memref_slice %arg3[%mul3A_23] : memref<1310720xi32, #tpu.memory_space<hbm>> -> memref<512xi32, #tpu.memory_space<hbm>>
        %dma_start3A_24 = tpu.memref_slice %arg3[%mul3A_23] : memref<1310720xi32, #tpu.memory_space<hbm>> -> memref<512xi32, #tpu.memory_space<hbm>>
        tpu.enqueue_dma source(%dma_start3A_24 : memref<512xi32, #tpu.memory_space<hbm>>) target(%arg6 : memref<512xi32, #tpu.memory_space<vmem>>) target_semaphore(%run_scoped3A : memref<!tpu.dma_semaphore, #tpu.memory_space<semaphore_mem>>)
        %dma_wait3A = tpu.memref_slice %arg3[%mul3A_23] : memref<1310720xi32, #tpu.memory_space<hbm>> -> memref<512xi32, #tpu.memory_space<hbm>>
        %dma_wait3A_25 = tpu.memref_slice %arg3[%mul3A_23] : memref<1310720xi32, #tpu.memory_space<hbm>> -> memref<512xi32, #tpu.memory_space<hbm>>
        tpu.wait_dma2 semaphore(%run_scoped3A : memref<!tpu.dma_semaphore, #tpu.memory_space<semaphore_mem>>) src(%dma_wait3A_25 : memref<512xi32, #tpu.memory_space<hbm>>) dst(%arg6 : memref<512xi32, #tpu.memory_space<vmem>>)
        tpu.yield
      }) : () -> ()
      "tpu.region"() ({
        %run_scoped3A = tpu.sem_alloc : memref<!tpu.dma_semaphore, #tpu.memory_space<semaphore_mem>>
        %dma_start3A = arith.constant 0 : i32
        %dma_start3A_24 = tpu.memref_slice %arg6[%dma_start3A] : memref<512xi32, #tpu.memory_space<vmem>> -> memref<256xi32, #tpu.memory_space<vmem>>
        %dma_start3A_25 = arith.constant 0 : i32
        %dma_start3A_26 = arith.constant 0 : i32
        %dma_start3A_27 = tpu.memref_slice %arg2[%dma_start3A_25, %dma_start3A_26] : memref<10240x128xf32, #tpu.memory_space<hbm>> -> memref<10240x128xf32, #tpu.memory_space<hbm>>
        tpu.enqueue_indirect_dma source(%dma_start3A_27 : memref<10240x128xf32, #tpu.memory_space<hbm>>) target(%arg7 : memref<256x128xf32, #tpu.memory_space<vmem>>) offsets(%dma_start3A_24 : memref<256xi32, #tpu.memory_space<vmem>>) semaphore(%run_scoped3A : memref<!tpu.dma_semaphore, #tpu.memory_space<semaphore_mem>>)
        %dma_wait3A = arith.constant 0 : i32
        %dma_wait3A_28 = tpu.memref_slice %arg6[%dma_wait3A] : memref<512xi32, #tpu.memory_space<vmem>> -> memref<256xi32, #tpu.memory_space<vmem>>
        %dma_wait3A_29 = arith.constant 0 : i32
        %dma_wait3A_30 = arith.constant 0 : i32
        %dma_wait3A_31 = tpu.memref_slice %arg2[%dma_wait3A_29, %dma_wait3A_30] : memref<10240x128xf32, #tpu.memory_space<hbm>> -> memref<10240x128xf32, #tpu.memory_space<hbm>>
        tpu.wait_indirect_dma semaphore(%run_scoped3A : memref<!tpu.dma_semaphore, #tpu.memory_space<semaphore_mem>>) src(%dma_wait3A_31 : memref<10240x128xf32, #tpu.memory_space<hbm>>) dst(%arg7 : memref<256x128xf32, #tpu.memory_space<vmem>>)
        tpu.yield
      }) : () -> ()
      "tpu.region"() ({
        %run_scoped3A = tpu.sem_alloc : memref<!tpu.dma_semaphore, #tpu.memory_space<semaphore_mem>>
        %dma_start3A = arith.constant 256 : i32
        %dma_start3A_24 = tpu.memref_slice %arg6[%dma_start3A] : memref<512xi32, #tpu.memory_space<vmem>> -> memref<256xi32, #tpu.memory_space<vmem>>
        %dma_start3A_25 = arith.constant 0 : i32
        %dma_start3A_26 = arith.constant 0 : i32
        %dma_start3A_27 = tpu.memref_slice %arg8[%dma_start3A_25, %dma_start3A_26] : memref<10240x128xf32, #tpu.memory_space<vmem_shared>> -> memref<10240x128xf32, #tpu.memory_space<vmem_shared>>
        tpu.enqueue_indirect_dma source(%arg7 : memref<256x128xf32, #tpu.memory_space<vmem>>) target(%dma_start3A_27 : memref<10240x128xf32, #tpu.memory_space<vmem_shared>>) offsets(%dma_start3A_24 : memref<256xi32, #tpu.memory_space<vmem>>) semaphore(%run_scoped3A : memref<!tpu.dma_semaphore, #tpu.memory_space<semaphore_mem>>) {add = true}
        %dma_wait3A = arith.constant 256 : i32
        %dma_wait3A_28 = tpu.memref_slice %arg6[%dma_wait3A] : memref<512xi32, #tpu.memory_space<vmem>> -> memref<256xi32, #tpu.memory_space<vmem>>
        %dma_wait3A_29 = arith.constant 0 : i32
        %dma_wait3A_30 = arith.constant 0 : i32
        %dma_wait3A_31 = tpu.memref_slice %arg8[%dma_wait3A_29, %dma_wait3A_30] : memref<10240x128xf32, #tpu.memory_space<vmem_shared>> -> memref<10240x128xf32, #tpu.memory_space<vmem_shared>>
        tpu.wait_indirect_dma semaphore(%run_scoped3A : memref<!tpu.dma_semaphore, #tpu.memory_space<semaphore_mem>>) src(%arg7 : memref<256x128xf32, #tpu.memory_space<vmem>>) dst(%dma_wait3A_31 : memref<10240x128xf32, #tpu.memory_space<vmem_shared>>)
        tpu.yield
      }) : () -> ()
    }
    %scan3A_7 = arith.constant 80 : i32
    %barrier3A_8 = arith.constant 0 : index
    tpu.barrier barrier_id(%barrier3A_8)
    %mul3A_9 = arith.constant 640 : i32
    %mul3A_10 = arith.muli %arg1, %mul3A_9 : i32
    %mul3A_11 = arith.constant 10240 : i32
    %mul3A_12 = arith.muli %arg0, %mul3A_11 : i32
    %mul3A_13 = arith.constant 640 : i32
    %mul3A_14 = arith.muli %arg1, %mul3A_13 : i32
    %add3A_15 = arith.addi %mul3A_12, %mul3A_14 : i32
    "tpu.region"() ({
      %run_scoped3A = tpu.sem_alloc : memref<!tpu.dma_semaphore, #tpu.memory_space<semaphore_mem>>
      %dma_start3A = arith.constant 0 : i32
      %dma_start3A_16 = tpu.memref_slice %arg5[%add3A_15, %dma_start3A] : memref<20480x128xf32, #tpu.memory_space<hbm>> -> memref<640x128xf32, #tpu.memory_space<hbm>>
      %dma_start3A_17 = arith.constant 0 : i32
      %dma_start3A_18 = tpu.memref_slice %arg8[%mul3A_10, %dma_start3A_17] : memref<10240x128xf32, #tpu.memory_space<vmem_shared>> -> memref<640x128xf32, #tpu.memory_space<vmem_shared>>
      tpu.enqueue_dma source(%dma_start3A_18 : memref<640x128xf32, #tpu.memory_space<vmem_shared>>) target(%dma_start3A_16 : memref<640x128xf32, #tpu.memory_space<hbm>>) target_semaphore(%run_scoped3A : memref<!tpu.dma_semaphore, #tpu.memory_space<semaphore_mem>>)
      %dma_wait3A = arith.constant 0 : i32
      %dma_wait3A_19 = tpu.memref_slice %arg5[%add3A_15, %dma_wait3A] : memref<20480x128xf32, #tpu.memory_space<hbm>> -> memref<640x128xf32, #tpu.memory_space<hbm>>
      %dma_wait3A_20 = arith.constant 0 : i32
      %dma_wait3A_21 = tpu.memref_slice %arg8[%mul3A_10, %dma_wait3A_20] : memref<10240x128xf32, #tpu.memory_space<vmem_shared>> -> memref<640x128xf32, #tpu.memory_space<vmem_shared>>
      tpu.wait_dma2 semaphore(%run_scoped3A : memref<!tpu.dma_semaphore, #tpu.memory_space<semaphore_mem>>) src(%dma_wait3A_21 : memref<640x128xf32, #tpu.memory_space<vmem_shared>>) dst(%dma_wait3A_19 : memref<640x128xf32, #tpu.memory_space<hbm>>)
      tpu.yield
    }) : () -> ()
    return
  }
}

module attributes {stable_mosaic.version = 14 : i64} {
  func.func @_deg_body(%arg0: i32, %arg1: memref<8192x1xi32, #tpu.memory_space<vmem>>, %arg2: memref<80x128xf32, #tpu.memory_space<vmem>>, %arg3: memref<80x128xf32, #tpu.memory_space<vmem>>) attributes {dimension_semantics = [#tpu.dimension_semantics<arbitrary>], iteration_bounds = array<i64: 80>, scalar_prefetch = 0 : i64, scratch_operands = 1 : i64, tpu.core_type = #tpu.core_type<tc>, window_params = [{transform_indices = @transform_0, window_bounds = array<i64: 8192, 1>}, {pipeline_mode = #tpu.pipeline_mode<synchronous>, transform_indices = @transform_1, window_bounds = array<i64: 80, 128>}]} {
    %eq3A = arith.constant 0 : i32
    %eq3A_0 = arith.cmpi eq, %arg0, %eq3A : i32
    %convert_element_type3A = arith.extui %eq3A_0 : i1 to i32
    %cond3A = arith.constant 0 : i32
    %cond3A_1 = arith.cmpi ne, %convert_element_type3A, %cond3A : i32
    scf.if %cond3A_1 {
      %broadcast_in_dim3A = arith.constant 0.000000e+00 : f32
      %broadcast_in_dim3A_52 = vector.broadcast %broadcast_in_dim3A : f32 to vector<80x128xf32>
      %swap3A_53 = arith.constant 0 : index
      %swap3A_54 = arith.constant 0 : index
      %swap3A_55 = vector.load %arg3[%swap3A_53, %swap3A_54] : memref<80x128xf32, #tpu.memory_space<vmem>>, vector<80x128xf32>
      tpu.vector_store %arg3[%swap3A_53, %swap3A_54], %broadcast_in_dim3A_52 {strides = array<i32>} : memref<80x128xf32, #tpu.memory_space<vmem>>, vector<80x128xf32>,
    } else {
    }
    %get3A = arith.constant 0 : index
    %get3A_2 = arith.constant 0 : index
    %get3A_3 = vector.load %arg1[%get3A, %get3A_2] : memref<8192x1xi32, #tpu.memory_space<vmem>>, vector<8192x1xi32>
    %jit3A = arith.constant 128 : i32
    %div3A = vector.broadcast %jit3A : i32 to vector<8192x1xi32>
    %div3A_4 = arith.divsi %get3A_3, %div3A : vector<8192x1xi32>
    %sign3A = arith.constant 0 : i32
    %sign3A_5 = vector.broadcast %sign3A : i32 to vector<8192x1xi32>
    %sign3A_6 = arith.cmpi sgt, %get3A_3, %sign3A_5 : vector<8192x1xi32>
    %sign3A_7 = arith.extui %sign3A_6 : vector<8192x1xi1> to vector<8192x1xi32>
    %sign3A_8 = arith.constant 0 : i32
    %sign3A_9 = vector.broadcast %sign3A_8 : i32 to vector<8192x1xi32>
    %sign3A_10 = arith.cmpi slt, %get3A_3, %sign3A_9 : vector<8192x1xi32>
    %sign3A_11 = arith.extui %sign3A_10 : vector<8192x1xi1> to vector<8192x1xi32>
    %sign3A_12 = arith.subi %sign3A_7, %sign3A_11 : vector<8192x1xi32>
    %sign3A_13 = arith.constant 0 : i32
    %sign3A_14 = arith.cmpi sgt, %jit3A, %sign3A_13 : i32
    %sign3A_15 = arith.extui %sign3A_14 : i1 to i32
    %sign3A_16 = arith.constant 0 : i32
    %sign3A_17 = arith.cmpi slt, %jit3A, %sign3A_16 : i32
    %sign3A_18 = arith.extui %sign3A_17 : i1 to i32
    %sign3A_19 = arith.subi %sign3A_15, %sign3A_18 : i32
    %ne3A = vector.broadcast %sign3A_19 : i32 to vector<8192x1xi32>
    %ne3A_20 = arith.cmpi ne, %sign3A_12, %ne3A : vector<8192x1xi32>
    %rem3A = vector.broadcast %jit3A : i32 to vector<8192x1xi32>
    %rem3A_21 = arith.remsi %get3A_3, %rem3A : vector<8192x1xi32>
    %ne3A_22 = arith.constant 0 : i32
    %ne3A_23 = vector.broadcast %ne3A_22 : i32 to vector<8192x1xi32>
    %ne3A_24 = arith.cmpi ne, %rem3A_21, %ne3A_23 : vector<8192x1xi32>
    %and3A = arith.andi %ne3A_20, %ne3A_24 : vector<8192x1xi1>
    %sub3A = arith.constant 1 : i32
    %sub3A_25 = vector.broadcast %sub3A : i32 to vector<8192x1xi32>
    %sub3A_26 = arith.subi %div3A_4, %sub3A_25 : vector<8192x1xi32>
    %select_n3A = arith.select %and3A, %sub3A_26, %div3A_4 : vector<8192x1xi1>, vector<8192x1xi32>
    %mul3A = arith.constant 128 : i32
    %mul3A_27 = vector.broadcast %mul3A : i32 to vector<8192x1xi32>
    %mul3A_28 = arith.muli %select_n3A, %mul3A_27 : vector<8192x1xi32>
    %sub3A_29 = arith.subi %get3A_3, %mul3A_28 : vector<8192x1xi32>
    %iota3A = tpu.iota {dimensions = array<i32: 1>} : vector<8192x80xi32>
    %eq3A_30 = vector.broadcast %select_n3A : vector<8192x1xi32> to vector<8192x80xi32>
    %eq3A_31 = arith.cmpi eq, %eq3A_30, %iota3A : vector<8192x80xi32>
    %convert_element_type3A_32 = arith.extui %eq3A_31 : vector<8192x80xi1> to vector<8192x80xi32>
    %convert_element_type3A_33 = arith.sitofp %convert_element_type3A_32 : vector<8192x80xi32> to vector<8192x80xf32>
    %convert_element_type3A_34 = arith.truncf %convert_element_type3A_33 : vector<8192x80xf32> to vector<8192x80xbf16>
    %iota3A_35 = tpu.iota {dimensions = array<i32: 1>} : vector<8192x128xi32>
    %eq3A_36 = vector.broadcast %sub3A_29 : vector<8192x1xi32> to vector<8192x128xi32>
    %eq3A_37 = arith.cmpi eq, %eq3A_36, %iota3A_35 : vector<8192x128xi32>
    %convert_element_type3A_38 = arith.extui %eq3A_37 : vector<8192x128xi1> to vector<8192x128xi32>
    %convert_element_type3A_39 = arith.sitofp %convert_element_type3A_38 : vector<8192x128xi32> to vector<8192x128xf32>
    %convert_element_type3A_40 = arith.truncf %convert_element_type3A_39 : vector<8192x128xf32> to vector<8192x128xbf16>
    %get3A_41 = arith.constant 0 : index
    %get3A_42 = arith.constant 0 : index
    %get3A_43 = vector.load %arg3[%get3A_41, %get3A_42] : memref<80x128xf32, #tpu.memory_space<vmem>>, vector<80x128xf32>
    %dot_general3A = arith.constant dense<0.000000e+00> : vector<80x128xf32>
    %dot_general3A_44 = tpu.matmul %convert_element_type3A_34, %convert_element_type3A_40, %dot_general3A {dimension_numbers = #tpu.dot_dimension_numbers<[0], [0], [1], [1], [0, 1, 1, 1], [], []>, transpose_lhs_hint = false} : vector<8192x80xbf16>, vector<8192x128xbf16>, vector<80x128xf32> -> vector<80x128xf32>
    %add3A = arith.addf %get3A_43, %dot_general3A_44 : vector<80x128xf32>
    %swap3A = arith.constant 0 : index
    %swap3A_45 = arith.constant 0 : index
    %swap3A_46 = vector.load %arg3[%swap3A, %swap3A_45] : memref<80x128xf32, #tpu.memory_space<vmem>>, vector<80x128xf32>
    tpu.vector_store %arg3[%swap3A, %swap3A_45], %add3A {strides = array<i32>} : memref<80x128xf32, #tpu.memory_space<vmem>>, vector<80x128xf32>,
    %eq3A_47 = arith.constant 79 : i32
    %eq3A_48 = arith.cmpi eq, %arg0, %eq3A_47 : i32
    %convert_element_type3A_49 = arith.extui %eq3A_48 : i1 to i32
    %cond3A_50 = arith.constant 0 : i32
    %cond3A_51 = arith.cmpi ne, %convert_element_type3A_49, %cond3A_50 : i32
    scf.if %cond3A_51 {
      %get3A_52 = arith.constant 0 : index
      %get3A_53 = arith.constant 0 : index
      %get3A_54 = vector.load %arg3[%get3A_52, %get3A_53] : memref<80x128xf32, #tpu.memory_space<vmem>>, vector<80x128xf32>
      %swap3A_55 = arith.constant 0 : index
      %swap3A_56 = arith.constant 0 : index
      %swap3A_57 = vector.load %arg2[%swap3A_55, %swap3A_56] : memref<80x128xf32, #tpu.memory_space<vmem>>, vector<80x128xf32>
      tpu.vector_store %arg2[%swap3A_55, %swap3A_56], %get3A_54 {strides = array<i32>} : memref<80x128xf32, #tpu.memory_space<vmem>>, vector<80x128xf32>,
    } else {
    }
    return
  }
  func.func @transform_0(%arg0: i32) -> (i32, i32) {
    %c0_i32 = arith.constant 0 : i32
    %c0_i32_0 = arith.constant 0 : i32
    return %arg0, %c0_i32 : i32, i32
  }
  func.func @transform_1(%arg0: i32) -> (i32, i32) {
    %c0_i32 = arith.constant 0 : i32
    %c0_i32_0 = arith.constant 0 : i32
    %c0_i32_1 = arith.constant 0 : i32
    return %c0_i32, %c0_i32_0 : i32, i32
  }
}

module attributes {stable_mosaic.version = 14 : i64} {
  func.func @_cnn_body(%arg0: i32, %arg1: memref<128x18x54xf32, #tpu.memory_space<vmem>>, %arg2: memref<162x512xbf16, #tpu.memory_space<vmem>>, %arg3: memref<1x512xf32, #tpu.memory_space<vmem>>, %arg4: memref<2048x64xf32, #tpu.memory_space<vmem>>, %arg5: memref<1x64xf32, #tpu.memory_space<vmem>>, %arg6: memref<64x128xf32, #tpu.memory_space<vmem>>, %arg7: memref<128x128xf32, #tpu.memory_space<vmem>>) attributes {dimension_semantics = [#tpu.dimension_semantics<arbitrary>], iteration_bounds = array<i64: 80>, scalar_prefetch = 0 : i64, scratch_operands = 0 : i64, tpu.core_type = #tpu.core_type<tc>, window_params = [{transform_indices = @transform_0, window_bounds = array<i64: 128, 18, 54>}, {pipeline_mode = #tpu.pipeline_mode<synchronous>, transform_indices = @transform_1, window_bounds = array<i64: 162, 512>}, {pipeline_mode = #tpu.pipeline_mode<synchronous>, transform_indices = @transform_2, window_bounds = array<i64: 1, 512>}, {pipeline_mode = #tpu.pipeline_mode<synchronous>, transform_indices = @transform_3, window_bounds = array<i64: 2048, 64>}, {pipeline_mode = #tpu.pipeline_mode<synchronous>, transform_indices = @transform_4, window_bounds = array<i64: 1, 64>}, {pipeline_mode = #tpu.pipeline_mode<synchronous>, transform_indices = @transform_5, window_bounds = array<i64: 64, 128>}, {transform_indices = @transform_6, window_bounds = array<i64: 128, 128>}]} {
    %get3A = arith.constant 0 : index
    %get3A_0 = arith.constant 0 : index
    %get3A_1 = arith.constant 0 : index
    %get3A_2 = vector.load %arg1[%get3A, %get3A_0, %get3A_1] : memref<128x18x54xf32, #tpu.memory_space<vmem>>, vector<128x18x54xf32>
    %slice3A = vector.extract_strided_slice %get3A_2 {offsets = [0, 0, 0], sizes = [128, 16, 54], strides = [1, 1, 1]} : vector<128x18x54xf32> to vector<128x16x54xf32>
    %slice3A_3 = vector.extract_strided_slice %get3A_2 {offsets = [0, 1, 0], sizes = [128, 16, 54], strides = [1, 1, 1]} : vector<128x18x54xf32> to vector<128x16x54xf32>
    %slice3A_4 = vector.extract_strided_slice %get3A_2 {offsets = [0, 2, 0], sizes = [128, 16, 54], strides = [1, 1, 1]} : vector<128x18x54xf32> to vector<128x16x54xf32>
    %concatenate3A = tpu.concatenate %slice3A, %slice3A_3, %slice3A_4 in 2 : vector<128x16x54xf32>, vector<128x16x54xf32>, vector<128x16x54xf32> -> vector<128x16x162xf32>
    %reshape3A = vector.shape_cast %concatenate3A : vector<128x16x162xf32> to vector<2048x162xf32>
    %convert_element_type3A = arith.truncf %reshape3A : vector<2048x162xf32> to vector<2048x162xbf16>
    %get3A_5 = arith.constant 0 : index
    %get3A_6 = arith.constant 0 : index
    %get3A_7 = vector.load %arg2[%get3A_5, %get3A_6] : memref<162x512xbf16, #tpu.memory_space<vmem>>, vector<162x512xbf16>
    %dot_general3A = arith.constant dense<0.000000e+00> : vector<2048x512xf32>
    %dot_general3A_8 = tpu.matmul %convert_element_type3A, %get3A_7, %dot_general3A {dimension_numbers = #tpu.dot_dimension_numbers<[1], [0], [0], [1], [0, 0, 1, 1], [], []>, transpose_lhs_hint = false} : vector<2048x162xbf16>, vector<162x512xbf16>, vector<2048x512xf32> -> vector<2048x512xf32>
    %get3A_9 = arith.constant 0 : index
    %get3A_10 = arith.constant 0 : index
    %get3A_11 = vector.load %arg3[%get3A_9, %get3A_10] : memref<1x512xf32, #tpu.memory_space<vmem>>, vector<1x512xf32>
    %add3A = vector.broadcast %get3A_11 : vector<1x512xf32> to vector<2048x512xf32>
    %add3A_12 = arith.addf %dot_general3A_8, %add3A : vector<2048x512xf32>
    %max3A = arith.constant 0.000000e+00 : f32
    %max3A_13 = vector.broadcast %max3A : f32 to vector<2048x512xf32>
    %max3A_14 = arith.maximumf %add3A_12, %max3A_13 : vector<2048x512xf32>
    %reshape3A_15 = vector.shape_cast %max3A_14 : vector<2048x512xf32> to vector<128x8x2x16x32xf32>
    %reduce_max3A = arith.constant dense<0xFF800000> : vector<128x8x16x32xf32>
    %reduce_max3A_16 = vector.multi_reduction <maximumf>, %reshape3A_15, %reduce_max3A [2] : vector<128x8x2x16x32xf32> to vector<128x8x16x32xf32>
    %reshape3A_17 = vector.shape_cast %reduce_max3A_16 : vector<128x8x16x32xf32> to vector<128x8x8x2x32xf32>
    %reduce_max3A_18 = arith.constant dense<0xFF800000> : vector<128x8x8x32xf32>
    %reduce_max3A_19 = vector.multi_reduction <maximumf>, %reshape3A_17, %reduce_max3A_18 [3] : vector<128x8x8x2x32xf32> to vector<128x8x8x32xf32>
    %reshape3A_20 = vector.shape_cast %reduce_max3A_19 : vector<128x8x8x32xf32> to vector<128x2048xf32>
    %get3A_21 = arith.constant 0 : index
    %get3A_22 = arith.constant 0 : index
    %get3A_23 = vector.load %arg4[%get3A_21, %get3A_22] : memref<2048x64xf32, #tpu.memory_space<vmem>>, vector<2048x64xf32>
    %dot_general3A_24 = arith.constant dense<0.000000e+00> : vector<128x64xf32>
    %dot_general3A_25 = tpu.matmul %reshape3A_20, %get3A_23, %dot_general3A_24 {dimension_numbers = #tpu.dot_dimension_numbers<[1], [0], [0], [1], [0, 0, 1, 1], [], []>, transpose_lhs_hint = false} : vector<128x2048xf32>, vector<2048x64xf32>, vector<128x64xf32> -> vector<128x64xf32>
    %get3A_26 = arith.constant 0 : index
    %get3A_27 = arith.constant 0 : index
    %get3A_28 = vector.load %arg5[%get3A_26, %get3A_27] : memref<1x64xf32, #tpu.memory_space<vmem>>, vector<1x64xf32>
    %add3A_29 = vector.broadcast %get3A_28 : vector<1x64xf32> to vector<128x64xf32>
    %add3A_30 = arith.addf %dot_general3A_25, %add3A_29 : vector<128x64xf32>
    %max3A_31 = arith.constant 0.000000e+00 : f32
    %max3A_32 = vector.broadcast %max3A_31 : f32 to vector<128x64xf32>
    %max3A_33 = arith.maximumf %add3A_30, %max3A_32 : vector<128x64xf32>
    %get3A_34 = arith.constant 0 : index
    %get3A_35 = arith.constant 0 : index
    %get3A_36 = vector.load %arg6[%get3A_34, %get3A_35] : memref<64x128xf32, #tpu.memory_space<vmem>>, vector<64x128xf32>
    %dot_general3A_37 = arith.constant dense<0.000000e+00> : vector<128x128xf32>
    %dot_general3A_38 = tpu.matmul %max3A_33, %get3A_36, %dot_general3A_37 {dimension_numbers = #tpu.dot_dimension_numbers<[1], [0], [0], [1], [0, 0, 1, 1], [], []>, transpose_lhs_hint = false} : vector<128x64xf32>, vector<64x128xf32>, vector<128x128xf32> -> vector<128x128xf32>
    %swap3A = arith.constant 0 : index
    %swap3A_39 = arith.constant 0 : index
    %swap3A_40 = vector.load %arg7[%swap3A, %swap3A_39] : memref<128x128xf32, #tpu.memory_space<vmem>>, vector<128x128xf32>
    tpu.vector_store %arg7[%swap3A, %swap3A_39], %dot_general3A_38 {strides = array<i32>} : memref<128x128xf32, #tpu.memory_space<vmem>>, vector<128x128xf32>,
    return
  }
  func.func @transform_0(%arg0: i32) -> (i32, i32, i32) {
    %c0_i32 = arith.constant 0 : i32
    %c0_i32_0 = arith.constant 0 : i32
    %c0_i32_1 = arith.constant 0 : i32
    return %arg0, %c0_i32, %c0_i32_0 : i32, i32, i32
  }
  func.func @transform_1(%arg0: i32) -> (i32, i32) {
    %c0_i32 = arith.constant 0 : i32
    %c0_i32_0 = arith.constant 0 : i32
    %c0_i32_1 = arith.constant 0 : i32
    return %c0_i32, %c0_i32_0 : i32, i32
  }
  func.func @transform_2(%arg0: i32) -> (i32, i32) {
    %c0_i32 = arith.constant 0 : i32
    %c0_i32_0 = arith.constant 0 : i32
    %c0_i32_1 = arith.constant 0 : i32
    return %c0_i32, %c0_i32_0 : i32, i32
  }
  func.func @transform_3(%arg0: i32) -> (i32, i32) {
    %c0_i32 = arith.constant 0 : i32
    %c0_i32_0 = arith.constant 0 : i32
    %c0_i32_1 = arith.constant 0 : i32
    return %c0_i32, %c0_i32_0 : i32, i32
  }
  func.func @transform_4(%arg0: i32) -> (i32, i32) {
    %c0_i32 = arith.constant 0 : i32
    %c0_i32_0 = arith.constant 0 : i32
    %c0_i32_1 = arith.constant 0 : i32
    return %c0_i32, %c0_i32_0 : i32, i32
  }
  func.func @transform_5(%arg0: i32) -> (i32, i32) {
    %c0_i32 = arith.constant 0 : i32
    %c0_i32_0 = arith.constant 0 : i32
    %c0_i32_1 = arith.constant 0 : i32
    return %c0_i32, %c0_i32_0 : i32, i32
  }
  func.func @transform_6(%arg0: i32) -> (i32, i32) {
    %c0_i32 = arith.constant 0 : i32
    %c0_i32_0 = arith.constant 0 : i32
    return %arg0, %c0_i32 : i32, i32
  }
}

module attributes {stable_mosaic.version = 14 : i64} {
  func.func @_scale_body(%arg0: i32, %arg1: memref<1024x128xf32, #tpu.memory_space<vmem>>, %arg2: memref<1024x1xf32, #tpu.memory_space<vmem>>, %arg3: memref<1024x128xf32, #tpu.memory_space<vmem>>) attributes {dimension_semantics = [#tpu.dimension_semantics<arbitrary>], iteration_bounds = array<i64: 10>, scalar_prefetch = 0 : i64, scratch_operands = 0 : i64, tpu.core_type = #tpu.core_type<tc>, window_params = [{transform_indices = @transform_0, window_bounds = array<i64: 1024, 128>}, {transform_indices = @transform_1, window_bounds = array<i64: 1024, 1>}, {transform_indices = @transform_2, window_bounds = array<i64: 1024, 128>}]} {
    %get3A = arith.constant 0 : index
    %get3A_0 = arith.constant 0 : index
    %get3A_1 = vector.load %arg2[%get3A, %get3A_0] : memref<1024x1xf32, #tpu.memory_space<vmem>>, vector<1024x1xf32>
    %add3A = arith.constant 1.000000e+00 : f32
    %add3A_2 = vector.broadcast %add3A : f32 to vector<1024x1xf32>
    %add3A_3 = arith.addf %get3A_1, %add3A_2 : vector<1024x1xf32>
    %rsqrt3A = math.rsqrt %add3A_3 : vector<1024x1xf32>
    %mul3A = arith.constant 1024 : i32
    %mul3A_4 = arith.muli %arg0, %mul3A : i32
    %iota3A = tpu.iota {dimensions = array<i32: 0>} : vector<1024x1xi32>
    %add3A_5 = vector.broadcast %mul3A_4 : i32 to vector<1024x1xi32>
    %add3A_6 = arith.addi %add3A_5, %iota3A : vector<1024x1xi32>
    %get3A_7 = arith.constant 0 : index
    %get3A_8 = arith.constant 0 : index
    %get3A_9 = vector.load %arg1[%get3A_7, %get3A_8] : memref<1024x128xf32, #tpu.memory_space<vmem>>, vector<1024x128xf32>
    %mul3A_10 = vector.broadcast %rsqrt3A : vector<1024x1xf32> to vector<1024x128xf32>
    %mul3A_11 = arith.mulf %get3A_9, %mul3A_10 : vector<1024x128xf32>
    %lt3A = arith.constant 10000 : i32
    %lt3A_12 = vector.broadcast %lt3A : i32 to vector<1024x1xi32>
    %lt3A_13 = arith.cmpi slt, %add3A_6, %lt3A_12 : vector<1024x1xi32>
    %jit3A = arith.constant 0.000000e+00 : f32
    %broadcast_in_dim3A = vector.shape_cast %lt3A_13 : vector<1024x1xi1> to vector<1024x1xi1>
    %broadcast_in_dim3A_14 = vector.broadcast %broadcast_in_dim3A : vector<1024x1xi1> to vector<1024x128xi1>
    %broadcast_in_dim3A_15 = vector.broadcast %jit3A : f32 to vector<1024x128xf32>
    %select_n3A = arith.select %broadcast_in_dim3A_14, %mul3A_11, %broadcast_in_dim3A_15 : vector<1024x128xi1>, vector<1024x128xf32>
    %swap3A = arith.constant 0 : index
    %swap3A_16 = arith.constant 0 : index
    %swap3A_17 = vector.load %arg3[%swap3A, %swap3A_16] : memref<1024x128xf32, #tpu.memory_space<vmem>>, vector<1024x128xf32>
    tpu.vector_store %arg3[%swap3A, %swap3A_16], %select_n3A {strides = array<i32>} : memref<1024x128xf32, #tpu.memory_space<vmem>>, vector<1024x128xf32>,
    return
  }
  func.func @transform_0(%arg0: i32) -> (i32, i32) {
    %c0_i32 = arith.constant 0 : i32
    %c0_i32_0 = arith.constant 0 : i32
    return %arg0, %c0_i32 : i32, i32
  }
  func.func @transform_1(%arg0: i32) -> (i32, i32) {
    %c0_i32 = arith.constant 0 : i32
    %c0_i32_0 = arith.constant 0 : i32
    return %arg0, %c0_i32 : i32, i32
  }
  func.func @transform_2(%arg0: i32) -> (i32, i32) {
    %c0_i32 = arith.constant 0 : i32
    %c0_i32_0 = arith.constant 0 : i32
    return %arg0, %c0_i32 : i32, i32
  }
}

module attributes {stable_mosaic.version = 14 : i64} {
  func.func @_pool_body(%arg0: i32, %arg1: memref<1024x128xf32, #tpu.memory_space<vmem>>, %arg2: memref<1024x128xf32, #tpu.memory_space<vmem>>, %arg3: memref<1024x128xf32, #tpu.memory_space<vmem>>, %arg4: memref<1024x1xf32, #tpu.memory_space<vmem>>, %arg5: memref<1024x1xi32, #tpu.memory_space<vmem>>, %arg6: memref<1x128xf32, #tpu.memory_space<vmem>>, %arg7: memref<128x64xf32, #tpu.memory_space<vmem>>, %arg8: memref<1x64xf32, #tpu.memory_space<vmem>>, %arg9: memref<64x2xf32, #tpu.memory_space<vmem>>, %arg10: memref<1x2xf32, #tpu.memory_space<vmem>>, %arg11: memref<64x2xf32, #tpu.memory_space<vmem>>, %arg12: memref<64x128xf32, #tpu.memory_space<vmem>>, %arg13: memref<64x128xf32, #tpu.memory_space<vmem>>) attributes {dimension_semantics = [#tpu.dimension_semantics<arbitrary>], iteration_bounds = array<i64: 10>, scalar_prefetch = 0 : i64, scratch_operands = 2 : i64, tpu.core_type = #tpu.core_type<tc>, window_params = [{transform_indices = @transform_0, window_bounds = array<i64: 1024, 128>}, {transform_indices = @transform_1, window_bounds = array<i64: 1024, 128>}, {transform_indices = @transform_2, window_bounds = array<i64: 1024, 128>}, {transform_indices = @transform_3, window_bounds = array<i64: 1024, 1>}, {transform_indices = @transform_4, window_bounds = array<i64: 1024, 1>}, {pipeline_mode = #tpu.pipeline_mode<synchronous>, transform_indices = @transform_5, window_bounds = array<i64: 1, 128>}, {pipeline_mode = #tpu.pipeline_mode<synchronous>, transform_indices = @transform_6, window_bounds = array<i64: 128, 64>}, {pipeline_mode = #tpu.pipeline_mode<synchronous>, transform_indices = @transform_7, window_bounds = array<i64: 1, 64>}, {pipeline_mode = #tpu.pipeline_mode<synchronous>, transform_indices = @transform_8, window_bounds = array<i64: 64, 2>}, {pipeline_mode = #tpu.pipeline_mode<synchronous>, transform_indices = @transform_9, window_bounds = array<i64: 1, 2>}, {pipeline_mode = #tpu.pipeline_mode<synchronous>, transform_indices = @transform_10, window_bounds = array<i64: 64, 2>}]} {
    %eq3A = arith.constant 0 : i32
    %eq3A_0 = arith.cmpi eq, %arg0, %eq3A : i32
    %convert_element_type3A = arith.extui %eq3A_0 : i1 to i32
    %cond3A = arith.constant 0 : i32
    %cond3A_1 = arith.cmpi ne, %convert_element_type3A, %cond3A : i32
    scf.if %cond3A_1 {
      %broadcast_in_dim3A_66 = arith.constant 0.000000e+00 : f32
      %broadcast_in_dim3A_67 = vector.broadcast %broadcast_in_dim3A_66 : f32 to vector<64x128xf32>
      %swap3A_68 = arith.constant 0 : index
      %swap3A_69 = arith.constant 0 : index
      %swap3A_70 = vector.load %arg12[%swap3A_68, %swap3A_69] : memref<64x128xf32, #tpu.memory_space<vmem>>, vector<64x128xf32>
      tpu.vector_store %arg12[%swap3A_68, %swap3A_69], %broadcast_in_dim3A_67 {strides = array<i32>} : memref<64x128xf32, #tpu.memory_space<vmem>>, vector<64x128xf32>,
      %broadcast_in_dim3A_71 = arith.constant 0.000000e+00 : f32
      %broadcast_in_dim3A_72 = vector.broadcast %broadcast_in_dim3A_71 : f32 to vector<64x128xf32>
      %swap3A_73 = arith.constant 0 : index
      %swap3A_74 = arith.constant 0 : index
      %swap3A_75 = vector.load %arg13[%swap3A_73, %swap3A_74] : memref<64x128xf32, #tpu.memory_space<vmem>>, vector<64x128xf32>
      tpu.vector_store %arg13[%swap3A_73, %swap3A_74], %broadcast_in_dim3A_72 {strides = array<i32>} : memref<64x128xf32, #tpu.memory_space<vmem>>, vector<64x128xf32>,
    } else {
    }
    %get3A = arith.constant 0 : index
    %get3A_2 = arith.constant 0 : index
    %get3A_3 = vector.load %arg4[%get3A, %get3A_2] : memref<1024x1xf32, #tpu.memory_space<vmem>>, vector<1024x1xf32>
    %add3A = arith.constant 1.000000e+00 : f32
    %add3A_4 = vector.broadcast %add3A : f32 to vector<1024x1xf32>
    %add3A_5 = arith.addf %get3A_3, %add3A_4 : vector<1024x1xf32>
    %rsqrt3A = math.rsqrt %add3A_5 : vector<1024x1xf32>
    %get3A_6 = arith.constant 0 : index
    %get3A_7 = arith.constant 0 : index
    %get3A_8 = vector.load %arg1[%get3A_6, %get3A_7] : memref<1024x128xf32, #tpu.memory_space<vmem>>, vector<1024x128xf32>
    %get3A_9 = arith.constant 0 : index
    %get3A_10 = arith.constant 0 : index
    %get3A_11 = vector.load %arg2[%get3A_9, %get3A_10] : memref<1024x128xf32, #tpu.memory_space<vmem>>, vector<1024x128xf32>
    %add3A_12 = arith.addf %get3A_8, %get3A_11 : vector<1024x128xf32>
    %mul3A = vector.broadcast %rsqrt3A : vector<1024x1xf32> to vector<1024x128xf32>
    %mul3A_13 = arith.mulf %mul3A, %add3A_12 : vector<1024x128xf32>
    %mul3A_14 = arith.mulf %rsqrt3A, %rsqrt3A : vector<1024x1xf32>
    %get3A_15 = arith.constant 0 : index
    %get3A_16 = arith.constant 0 : index
    %get3A_17 = vector.load %arg3[%get3A_15, %get3A_16] : memref<1024x128xf32, #tpu.memory_space<vmem>>, vector<1024x128xf32>
    %mul3A_18 = vector.broadcast %mul3A_14 : vector<1024x1xf32> to vector<1024x128xf32>
    %mul3A_19 = arith.mulf %mul3A_18, %get3A_17 : vector<1024x128xf32>
    %add3A_20 = arith.addf %mul3A_13, %mul3A_19 : vector<1024x128xf32>
    %get3A_21 = arith.constant 0 : index
    %get3A_22 = arith.constant 0 : index
    %get3A_23 = vector.load %arg6[%get3A_21, %get3A_22] : memref<1x128xf32, #tpu.memory_space<vmem>>, vector<1x128xf32>
    %add3A_24 = vector.broadcast %get3A_23 : vector<1x128xf32> to vector<1024x128xf32>
    %add3A_25 = arith.addf %add3A_20, %add3A_24 : vector<1024x128xf32>
    %max3A = arith.constant 0.000000e+00 : f32
    %max3A_26 = vector.broadcast %max3A : f32 to vector<1024x128xf32>
    %max3A_27 = arith.maximumf %add3A_25, %max3A_26 : vector<1024x128xf32>
    %mul3A_28 = arith.constant 1024 : i32
    %mul3A_29 = arith.muli %arg0, %mul3A_28 : i32
    %iota3A = tpu.iota {dimensions = array<i32: 0>} : vector<1024x1xi32>
    %add3A_30 = vector.broadcast %mul3A_29 : i32 to vector<1024x1xi32>
    %add3A_31 = arith.addi %add3A_30, %iota3A : vector<1024x1xi32>
    %iota3A_32 = tpu.iota {dimensions = array<i32: 1>} : vector<1024x64xi32>
    %get3A_33 = arith.constant 0 : index
    %get3A_34 = arith.constant 0 : index
    %get3A_35 = vector.load %arg5[%get3A_33, %get3A_34] : memref<1024x1xi32, #tpu.memory_space<vmem>>, vector<1024x1xi32>
    %eq3A_36 = vector.broadcast %get3A_35 : vector<1024x1xi32> to vector<1024x64xi32>
    %eq3A_37 = arith.cmpi eq, %eq3A_36, %iota3A_32 : vector<1024x64xi32>
    %lt3A = arith.constant 10000 : i32
    %lt3A_38 = vector.broadcast %lt3A : i32 to vector<1024x1xi32>
    %lt3A_39 = arith.cmpi slt, %add3A_31, %lt3A_38 : vector<1024x1xi32>
    %and3A = vector.broadcast %lt3A_39 : vector<1024x1xi1> to vector<1024x64xi1>
    %and3A_40 = arith.andi %eq3A_37, %and3A : vector<1024x64xi1>
    %jit3A = arith.constant 1.000000e+00 : f32
    %jit3A_41 = arith.constant 0.000000e+00 : f32
    %broadcast_in_dim3A = vector.broadcast %jit3A : f32 to vector<1024x64xf32>
    %broadcast_in_dim3A_42 = vector.broadcast %jit3A_41 : f32 to vector<1024x64xf32>
    %select_n3A = arith.select %and3A_40, %broadcast_in_dim3A, %broadcast_in_dim3A_42 : vector<1024x64xi1>, vector<1024x64xf32>
    %get3A_43 = arith.constant 0 : index
    %get3A_44 = arith.constant 0 : index
    %get3A_45 = vector.load %arg12[%get3A_43, %get3A_44] : memref<64x128xf32, #tpu.memory_space<vmem>>, vector<64x128xf32>
    %dot_general3A = arith.constant dense<0.000000e+00> : vector<64x128xf32>
    %dot_general3A_46 = tpu.matmul %select_n3A, %max3A_27, %dot_general3A {dimension_numbers = #tpu.dot_dimension_numbers<[0], [0], [1], [1], [0, 1, 1, 1], [], []>, transpose_lhs_hint = false} : vector<1024x64xf32>, vector<1024x128xf32>, vector<64x128xf32> -> vector<64x128xf32>
    %add3A_47 = arith.addf %get3A_45, %dot_general3A_46 : vector<64x128xf32>
    %swap3A = arith.constant 0 : index
    %swap3A_48 = arith.constant 0 : index
    %swap3A_49 = vector.load %arg12[%swap3A, %swap3A_48] : memref<64x128xf32, #tpu.memory_space<vmem>>, vector<64x128xf32>
    tpu.vector_store %arg12[%swap3A, %swap3A_48], %add3A_47 {strides = array<i32>} : memref<64x128xf32, #tpu.memory_space<vmem>>, vector<64x128xf32>,
    %get3A_50 = arith.constant 0 : index
    %get3A_51 = arith.constant 0 : index
    %get3A_52 = vector.load %arg13[%get3A_50, %get3A_51] : memref<64x128xf32, #tpu.memory_space<vmem>>, vector<64x128xf32>
    %broadcast_in_dim3A_53 = arith.constant 1.000000e+00 : f32
    %broadcast_in_dim3A_54 = vector.broadcast %broadcast_in_dim3A_53 : f32 to vector<1024x128xf32>
    %dot_general3A_55 = arith.constant dense<0.000000e+00> : vector<64x128xf32>
    %dot_general3A_56 = tpu.matmul %select_n3A, %broadcast_in_dim3A_54, %dot_general3A_55 {dimension_numbers = #tpu.dot_dimension_numbers<[0], [0], [1], [1], [0, 1, 1, 1], [], []>, transpose_lhs_hint = false} : vector<1024x64xf32>, vector<1024x128xf32>, vector<64x128xf32> -> vector<64x128xf32>
    %add3A_57 = arith.addf %get3A_52, %dot_general3A_56 : vector<64x128xf32>
    %swap3A_58 = arith.constant 0 : index
    %swap3A_59 = arith.constant 0 : index
    %swap3A_60 = vector.load %arg13[%swap3A_58, %swap3A_59] : memref<64x128xf32, #tpu.memory_space<vmem>>, vector<64x128xf32>
    tpu.vector_store %arg13[%swap3A_58, %swap3A_59], %add3A_57 {strides = array<i32>} : memref<64x128xf32, #tpu.memory_space<vmem>>, vector<64x128xf32>,
    %eq3A_61 = arith.constant 9 : i32
    %eq3A_62 = arith.cmpi eq, %arg0, %eq3A_61 : i32
    %convert_element_type3A_63 = arith.extui %eq3A_62 : i1 to i32
    %cond3A_64 = arith.constant 0 : i32
    %cond3A_65 = arith.cmpi ne, %convert_element_type3A_63, %cond3A_64 : i32
    scf.if %cond3A_65 {
      %get3A_66 = arith.constant 0 : index
      %get3A_67 = arith.constant 0 : index
      %get3A_68 = vector.load %arg12[%get3A_66, %get3A_67] : memref<64x128xf32, #tpu.memory_space<vmem>>, vector<64x128xf32>
      %get3A_69 = arith.constant 0 : index
      %get3A_70 = arith.constant 0 : index
      %get3A_71 = vector.load %arg13[%get3A_69, %get3A_70] : memref<64x128xf32, #tpu.memory_space<vmem>>, vector<64x128xf32>
      %max3A_72 = arith.constant 1.000000e+00 : f32
      %max3A_73 = vector.broadcast %max3A_72 : f32 to vector<64x128xf32>
      %max3A_74 = arith.maximumf %get3A_71, %max3A_73 : vector<64x128xf32>
      %div3A = arith.divf %get3A_68, %max3A_74 : vector<64x128xf32>
      %get3A_75 = arith.constant 0 : index
      %get3A_76 = arith.constant 0 : index
      %get3A_77 = vector.load %arg7[%get3A_75, %get3A_76] : memref<128x64xf32, #tpu.memory_space<vmem>>, vector<128x64xf32>
      %dot_general3A_78 = arith.constant dense<0.000000e+00> : vector<64x64xf32>
      %dot_general3A_79 = tpu.matmul %div3A, %get3A_77, %dot_general3A_78 {dimension_numbers = #tpu.dot_dimension_numbers<[1], [0], [0], [1], [0, 0, 1, 1], [], []>, transpose_lhs_hint = false} : vector<64x128xf32>, vector<128x64xf32>, vector<64x64xf32> -> vector<64x64xf32>
      %get3A_80 = arith.constant 0 : index
      %get3A_81 = arith.constant 0 : index
      %get3A_82 = vector.load %arg8[%get3A_80, %get3A_81] : memref<1x64xf32, #tpu.memory_space<vmem>>, vector<1x64xf32>
      %add3A_83 = vector.broadcast %get3A_82 : vector<1x64xf32> to vector<64x64xf32>
      %add3A_84 = arith.addf %dot_general3A_79, %add3A_83 : vector<64x64xf32>
      %max3A_85 = arith.constant 0.000000e+00 : f32
      %max3A_86 = vector.broadcast %max3A_85 : f32 to vector<64x64xf32>
      %max3A_87 = arith.maximumf %add3A_84, %max3A_86 : vector<64x64xf32>
      %get3A_88 = arith.constant 0 : index
      %get3A_89 = arith.constant 0 : index
      %get3A_90 = vector.load %arg9[%get3A_88, %get3A_89] : memref<64x2xf32, #tpu.memory_space<vmem>>, vector<64x2xf32>
      %dot_general3A_91 = arith.constant dense<0.000000e+00> : vector<64x2xf32>
      %dot_general3A_92 = tpu.matmul %max3A_87, %get3A_90, %dot_general3A_91 {dimension_numbers = #tpu.dot_dimension_numbers<[1], [0], [0], [1], [0, 0, 1, 1], [], []>, transpose_lhs_hint = false} : vector<64x64xf32>, vector<64x2xf32>, vector<64x2xf32> -> vector<64x2xf32>
      %get3A_93 = arith.constant 0 : index
      %get3A_94 = arith.constant 0 : index
      %get3A_95 = vector.load %arg10[%get3A_93, %get3A_94] : memref<1x2xf32, #tpu.memory_space<vmem>>, vector<1x2xf32>
      %add3A_96 = vector.broadcast %get3A_95 : vector<1x2xf32> to vector<64x2xf32>
      %add3A_97 = arith.addf %dot_general3A_92, %add3A_96 : vector<64x2xf32>
      %swap3A_98 = arith.constant 0 : index
      %swap3A_99 = arith.constant 0 : index
      %swap3A_100 = vector.load %arg11[%swap3A_98, %swap3A_99] : memref<64x2xf32, #tpu.memory_space<vmem>>, vector<64x2xf32>
      tpu.vector_store %arg11[%swap3A_98, %swap3A_99], %add3A_97 {strides = array<i32>} : memref<64x2xf32, #tpu.memory_space<vmem>>, vector<64x2xf32>,
    } else {
    }
    return
  }
  func.func @transform_0(%arg0: i32) -> (i32, i32) {
    %c0_i32 = arith.constant 0 : i32
    %c0_i32_0 = arith.constant 0 : i32
    return %arg0, %c0_i32 : i32, i32
  }
  func.func @transform_1(%arg0: i32) -> (i32, i32) {
    %c0_i32 = arith.constant 0 : i32
    %c0_i32_0 = arith.constant 0 : i32
    return %arg0, %c0_i32 : i32, i32
  }
  func.func @transform_2(%arg0: i32) -> (i32, i32) {
    %c0_i32 = arith.constant 0 : i32
    %c0_i32_0 = arith.constant 0 : i32
    return %arg0, %c0_i32 : i32, i32
  }
  func.func @transform_3(%arg0: i32) -> (i32, i32) {
    %c0_i32 = arith.constant 0 : i32
    %c0_i32_0 = arith.constant 0 : i32
    return %arg0, %c0_i32 : i32, i32
  }
  func.func @transform_4(%arg0: i32) -> (i32, i32) {
    %c0_i32 = arith.constant 0 : i32
    %c0_i32_0 = arith.constant 0 : i32
    return %arg0, %c0_i32 : i32, i32
  }
  func.func @transform_5(%arg0: i32) -> (i32, i32) {
    %c0_i32 = arith.constant 0 : i32
    %c0_i32_0 = arith.constant 0 : i32
    %c0_i32_1 = arith.constant 0 : i32
    return %c0_i32, %c0_i32_0 : i32, i32
  }
  func.func @transform_6(%arg0: i32) -> (i32, i32) {
    %c0_i32 = arith.constant 0 : i32
    %c0_i32_0 = arith.constant 0 : i32
    %c0_i32_1 = arith.constant 0 : i32
    return %c0_i32, %c0_i32_0 : i32, i32
  }
  func.func @transform_7(%arg0: i32) -> (i32, i32) {
    %c0_i32 = arith.constant 0 : i32
    %c0_i32_0 = arith.constant 0 : i32
    %c0_i32_1 = arith.constant 0 : i32
    return %c0_i32, %c0_i32_0 : i32, i32
  }
  func.func @transform_8(%arg0: i32) -> (i32, i32) {
    %c0_i32 = arith.constant 0 : i32
    %c0_i32_0 = arith.constant 0 : i32
    %c0_i32_1 = arith.constant 0 : i32
    return %c0_i32, %c0_i32_0 : i32, i32
  }
  func.func @transform_9(%arg0: i32) -> (i32, i32) {
    %c0_i32 = arith.constant 0 : i32
    %c0_i32_0 = arith.constant 0 : i32
    %c0_i32_1 = arith.constant 0 : i32
    return %c0_i32, %c0_i32_0 : i32, i32
  }
  func.func @transform_10(%arg0: i32) -> (i32, i32) {
    %c0_i32 = arith.constant 0 : i32
    %c0_i32_0 = arith.constant 0 : i32
    %c0_i32_1 = arith.constant 0 : i32
    return %c0_i32, %c0_i32_0 : i32, i32
  }
}

</mosaic_0001>

<sc_bundles>
// kernel: kernel.7.cloned.1.call-start
scs
__scs_entry_jumppad:
0x0: {  	(pc) =	sbr.rel $0x88, $3  }
0x1: {  	(tag) =	ssettag $0x0;
	lr =	simm.s32 $0x1  }
0x2: {  	[smem:$0x3F94] =	sst lr;
	_ =	strace $0xD0000000  }
0x3: {  	_ = 	snop  }
0x4: {  	_ = 	snop  }
0x5: {  	_ = 	snop  }
0x6: {  	_ = 	snop  }
0x7: {  	_ = 	snop  }
__scs_overlays_trampoline_lowered:
0x8: {  	[smem:$0x3FA3] =	sst s0  }
0x9: {  	[smem:$0x3FA4] =	sst s1  }
0xa: {  	[smem:$0x3FA5] =	sst s2  }
0xb: {  	[smem:$0x3FA6] =	sst s3  }
0xc: {  	[smem:$0x3FA7] =	sst s4  }
0xd: {  	[smem:$0x3FA8] =	sst s5  }
0xe: {  	[smem:$0x3FA9] =	sst s6  }
0xf: {  	[smem:$0x3FAA] =	sst s7  }
0x10: {  	[smem:$0x3FAB] =	sst s8  }
0x11: {  	[smem:$0x3FAC] =	sst s9;
	s0 =	simm.s32 @!p0 $0x0  }
0x12: {  	s1 =	sld [smem:$0x3F92];
	s0 =	simm.s32 @p0 $0x1  }
0x13: {  	[smem:$0x3FAD] =	sst s0;
	s0 =	simm.s32 @!p1 $0x0  }
0x14: {  	s2 =	sld [smem:$0x3F91];
	s0 =	simm.s32 @p1 $0x1  }
0x15: {  	[smem:$0x3FAE] =	sst s0;
	s0 =	simm.s32 @!p2 $0x0  }
0x16: {  	s3 =	sld [smem:$0x3FDB];
	s0 =	simm.s32 @p2 $0x1  }
0x17: {  	s4 =	simm.s32 $0x1BF5;
	[smem:$0x3FB0] =	sst s0  }
0x18: {  	s0 =	sld [smem:$0x3F93];
	_ =	swait.ge [sflag:s4], $0x0  }
0x19: {  	s7 =	sld [smem:$0x3F94]  }
0x1a: {  	s8 =	sadd.s32 $0xFFFFE003, lr  }
0x1b: {  	s9 =	sadd.s32 $0xFFFFFEF7, lr;
	s5 =	simm.s32 $0xFFFFFFFF;
	p2 =	slt.u32 s8, $0xFFFFF086  }
0x1c: {  	p1 =	slt.u32 s9, $0xF7A;
	s5 =	simm.s32 @!p2 $0x0  }
0x1d: {  	s5 =	simm.s32 @p1 $0x1;
	p0 =	seq.s32 s7, s2  }
0x1e: {  	s7 =	smul.u32 @!p0 $0xF7A, s2;
	p2 =	seq.s32 @!p0 s5, $0x0  }
0x1f: {  	s9 =	smul.u32 $0xF7A, s1;
	s8 =	simm.s32 @!p0 $0x1BF5;
	p2 =	por !p2, p0  }
0x20: {  	[sflag:s8] =	ssyncset.s32 @!p0 $0xFFFFF086;
	s6 =	sadd.s32 @!p0 s3, s7;
	s7 =	simm.s32 @!p0 $0x108  }
0x21: {  	s3 =	sadd.s32 s3, s9;
	s6 =	sadd.s32 @!p0 $0x88, s6;
	s7 =	simm.s32 @p2 $0x1082  }
0x22: {  	[simem:s7], [sflag:s8] =	dma.local @!p0 [hbm:s6], $0xF7A  }
0x23: {  	s9 =	sor.u32 $0xD0000000, s2;
	s6 =	simm.s32 $0x108;
	_ =	swait.ge @!p0 [sflag:s8], $0x0  }
0x24: {  	s3 =	sadd.s32 $0x88, s3;
	s6 =	simm.s32 @!p1 $0x1082;
	[sflag:s4] =	ssyncset.s32 $0xFFFFF086  }
0x25: {  	[simem:s6], [sflag:s4] =	dma.local [hbm:s3], $0xF7A  }
0x26: {  	[smem:$0x3F94] =	sst s1;
	(tag) =	ssettag s2;
	_ =	strace s9  }
0x27: {  	s1 =	sld [smem:$0x3FA4]  }
0x28: {  	s2 =	sld [smem:$0x3FA5]  }
0x29: {  	s4 =	sld [smem:$0x3FA7]  }
0x2a: {  	p0 =	seq.s32 s5, $0x0;
	s5 =	sld [smem:$0x3FA8]  }
0x2b: {  	s6 =	sld [smem:$0x3FA9]  }
0x2c: {  	s7 =	sld [smem:$0x3FAA]  }
0x2d: {  	s3 =	simm.s32 $0x108;
	s8 =	sld [smem:$0x3FAB]  }
0x2e: {  	s3 =	simm.s32 @!p0 $0x1082;
	s9 =	sld [smem:$0x3FAC]  }
0x2f: {  	lr =	sadd.s32 s0, s3;
	s0 =	sld [smem:$0x3FA3]  }
0x30: {  	s3 =	sld [smem:$0x3FA6]  }
0x31: {  	[smem:$0x3FAF] =	sst s10  }
0x32: {  	s10 =	sld [smem:$0x3FAD];
	_ =	sdelay $0x3  }
0x33: {  	p0 =	seq.s32 s10, $0x1;
	s10 =	sld [smem:$0x3FAF];
	_ =	sdelay $0x3  }
0x34: {  	[smem:$0x3FAF] =	sst s10  }
0x35: {  	s10 =	sld [smem:$0x3FAE];
	_ =	sdelay $0x3  }
0x36: {  	p1 =	seq.s32 s10, $0x1;
	s10 =	sld [smem:$0x3FAF];
	_ =	sdelay $0x3  }
0x37: {  	[smem:$0x3FAF] =	sst s10  }
0x38: {  	s10 =	sld [smem:$0x3FB0]  }
0x39: {  	_ = 	snop;
	(pc) =	sbr.ind lr, $3  }
0x3a: {  	_ = 	snop  }
0x3b: {  	_ = 	snop  }
0x3c: {  	p2 =	seq.s32 s10, $0x1;
	s10 =	sld [smem:$0x3FAF]  }
0x3d: {  	_ =	shalt  }
0x3e: {  	_ =	shalt  }
0x3f: {  	_ =	shalt  }
0x40: {  	_ =	shalt  }
0x41: {  	_ =	shalt  }
0x42: {  	_ =	shalt  }
0x43: {  	_ =	shalt  }
0x44: {  	_ =	shalt  }
0x45: {  	_ =	shalt  }
0x46: {  	_ =	shalt  }
0x47: {  	_ =	shalt  }
0x48: {  	_ =	shalt  }
0x49: {  	_ =	shalt  }
0x4a: {  	_ =	shalt  }
0x4b: {  	_ =	shalt  }
0x4c: {  	_ =	shalt  }
0x4d: {  	_ =	shalt  }
0x4e: {  	_ =	shalt  }
0x4f: {  	_ =	shalt  }
0x50: {  	_ =	shalt  }
0x51: {  	_ =	shalt  }
0x52: {  	_ =	shalt  }
0x53: {  	_ =	shalt  }
0x54: {  	_ =	shalt  }
0x55: {  	_ =	shalt  }
0x56: {  	_ =	shalt  }
0x57: {  	_ =	shalt  }
0x58: {  	_ =	shalt  }
0x59: {  	_ =	shalt  }
0x5a: {  	_ =	shalt  }
0x5b: {  	_ =	shalt  }
0x5c: {  	_ =	shalt  }
0x5d: {  	_ =	shalt  }
0x5e: {  	_ =	shalt  }
0x5f: {  	_ =	shalt  }
0x60: {  	_ =	shalt  }
0x61: {  	_ =	shalt  }
0x62: {  	_ =	shalt  }
0x63: {  	_ =	shalt  }
0x64: {  	_ =	shalt  }
0x65: {  	_ =	shalt  }
0x66: {  	_ =	shalt  }
0x67: {  	_ =	shalt  }
0x68: {  	_ =	shalt  }
0x69: {  	_ =	shalt  }
0x6a: {  	_ =	shalt  }
0x6b: {  	_ =	shalt  }
0x6c: {  	_ =	shalt  }
0x6d: {  	_ =	shalt  }
0x6e: {  	_ =	shalt  }
0x6f: {  	_ =	shalt  }
0x70: {  	_ =	shalt  }
0x71: {  	_ =	shalt  }
0x72: {  	_ =	shalt  }
0x73: {  	_ =	shalt  }
0x74: {  	_ =	shalt  }
0x75: {  	_ =	shalt  }
0x76: {  	_ =	shalt  }
0x77: {  	_ =	shalt  }
0x78: {  	_ =	shalt  }
0x79: {  	_ =	shalt  }
0x7a: {  	_ =	shalt  }
0x7b: {  	_ =	shalt  }
0x7c: {  	_ =	shalt  }
0x7d: {  	_ =	shalt  }
0x7e: {  	_ =	shalt  }
0x7f: {  	_ =	shalt  }
0x80: {  	_ =	shalt  }
0x81: {  	_ =	shalt  }
0x82: {  	_ =	shalt  }
0x83: {  	_ =	shalt  }
0x84: {  	_ =	shalt  }
0x85: {  	_ =	shalt  }
0x86: {  	_ =	shalt  }
0x87: {  	_ =	shalt  }
.Lfunc_end0:
.L_simem_size_0:
called_computation_lowered:
.L_overlay_start_0:
0x88: {  	s2 =	sld [smem:$0x3FD9]  }
0x89: {  	s3 =	sld [smem:$0x3FFE];
	_ =	sdelay $0x1  }
0x8a: {  	s1 =	srdreg.scid  }
0x8b: {  	s0 =	sand.u32 $0x1, s1  }
0x8c: {  	s16 =	sshll.u32 s0, $0xA;
	s2 =	sadd.s32 s3, s2  }
0x8d: {  	s2 =	sadd.s32 s2, s16  }
0x8e: {  	[smem:$0x3FBB] =	sst s2  }
0x8f: {  	_ = 	snop  }
0x90: {  	(tm) =	ssettm $0x1  }
0x91: {  	s17 =	sld [smem:$0x3FFB];
	_ =	sdelay $0x3  }
0x92: {  	_ =	strace s17  }
0x93: {  	s2 =	sld [smem:$0x3FFC];
	_ =	sdelay $0x3  }
0x94: {  	_ =	strace s2  }
0x95: {  	s2 =	sld [smem:$0x3FFD];
	_ =	sdelay $0x3  }
0x96: {  	_ =	strace s2  }
0x97: {  	_ =	strace $0x8FFFFFFF  }
0x98: {  	s18 =	sld [smem:$0x3FDB];
	_ =	sdelay $0x1  }
0x99: {  	s19 =	simm.s32 $_scs_section_size  }
0x9a: {  	s4 =	simm.s32 $_size__tile_overlayer_lowered;
	s5 =	simm.s32 $_tile_overlayer_lowered  }
0x9b: {  	s22 =	simm.s32 $0x1BFF;
	s21 =	sshll.u32 s5, $0x1;
	s2 =	sadd.s32 s19, s18  }
0x9c: {  	s6 =	simm.s32 $0x0;
	s20 =	sshll.u32 s4, $0x1;
	s4 =	sadd.s32 s21, s2  }
0x9d: {  	[timem:s6], [sflag:s22] =	dma.local [hbm:s4], s20  }
0x9e: {  	_ =	swait.ge [sflag:s22], s20  }
0x9f: {  	s3 =	ssub.s32 $0x0, s20;
	[sflag:s22] =	ssyncset.done $0x0  }
0xa0: {  	[sflag:s22] =	ssyncadd.s32 s3;
	_ =	sdelay $0x1  }
0xa1: {  	s23 =	simm.s32 $0x1B8B  }
0xa2: {  	_ =	swait.ge [sflag:s23], $0x1  }
0xa3: {  	[sflag:s23] =	ssyncset.done $0x0  }
0xa4: {  	s25 =	simm.s32 $0x1B8E;
	s24 =	sld [smem:$0x3FFE];
	[sflag:s23] =	ssyncadd.s32 $0xFFFFFFFF  }
0xa5: {  	s26 =	simm.s32 $execute0_lowered;
	[smem:$0x3FD2] =	sst s25  }
0xa6: {  	s4 =	sshll.u32 s26, $0x1;
	_ =	strace $0x80000046;
	[dreg:$0x1] =	wrdreg $0xFFFFFFFF  }
0xa7: {  	s28 =	simm.s32 $_size_execute0_lowered;
	s2 =	sadd.s32 s2, s4;
	[dreg:$0x0] =	wrdreg $0x0  }
0xa8: {  	s4 =	sshll.u32 s28, $0x1;
	[dreg:$0x2] =	wrdreg s2  }
0xa9: {  	[dreg:$0x3] =	wrdreg s4  }
0xaa: {  	[dreg:$0x4] =	wrdreg $0xC0  }
0xab: {  	_ =	task [dreg:s6], $0x5FFFF  }
0xac: {  	[dreg:$0x1] =	wrdreg $0xFFFFFFFF  }
0xad: {  	[dreg:$0x0] =	wrdreg $0x60  }
0xae: {  	[dreg:$0x2] =	wrdreg s24  }
0xaf: {  	[dreg:$0x3] =	wrdreg $0x82000  }
0xb0: {  	[dreg:$0x4] =	wrdreg $0x9  }
0xb1: {  	_ =	task.clear_ibuf [dreg:s6], $0x5FFFF;
	_ =	strace $0x90000046  }
0xb2: {  	s29 =	simm.s32 $0x9;
	_ =	strace $0x80000048  }
0xb3: {  	_ =	swait.ge [sflag:s29], $0x1  }
0xb4: {  	[sflag:s29] =	ssyncadd.s32 $0xFFFFFFFF  }
0xb5: {  	_ =	strace $0x90000048  }
0xb6: {  	_ =	sfence  }
0xb7: {  	s30 =	sld [smem:$0x0];
	_ =	sdelay $0x2  }
0xb8: {  	s31 =	sshll.u32 s1, $0xD;
	s1 =	sshrl.u32 s1, $0x2  }
0xb9: {  	s3 =	sand.u32 $0x4000, s31;
	s1 =	sadd.s32 s1, s30  }
0xba: {  	s0 =	sor.u32 s3, s0;
	s1 =	sshll.u32 s1, $0x11  }
0xbb: {  	s0 =	sor.u32 s1, s0  }
0xbc: {  	s0 =	sadd.s32 $0x8F2B, s0  }
0xbd: {  	[sflag:s0] =	ssyncadd.remote.s32 $0x1  }
0xbe: {  	_ =	sfence.sel $0xFFFF  }
0xbf: {  	[dreg:$0x0] =	wrdreg $0xFFFFFFFF;
	(pc) =	sbr.abs _section_cstart, $3  }
0xc0: {  	[dreg:$0x1] =	wrdreg $0xFFFFFFFF  }
0xc1: {  	_ =	task.clear_ibuf [dreg:s6], $0x2FFFF;
	_ =	strace $0x9FFFFFFF  }
0xc2: {  	(tm) =	ssettm $0x7FFFFFFF  }
0xc3: {  	_ =	shalt  }
tec
execute0_lowered:
.L_overlay_start_1:
0x0: {  	(tag) =	ssettag $0x1  }
0x1: {  	s6 =	rddreg [dreg:$0x0]  }
0x2: {  	s2 =	rddreg [dreg:$0x1]  }
0x3: {  	s0 =	rddreg [dreg:$0x2];
	s1 =	stileid.u32  }
0x4: {  	s4 =	srdreg.scid;
	s3 =	simm.s32 $0x0;
	s14 =	simm.s32 $0x0  }
0x5: {  	s5 =	smul.u32 $0x2800, s1;
	s7 =	sand.u32 $0x1, s4;
	[smem:$0x7FF] =	sst s3  }
0x6: {  	s4 =	sadd.s32 $0x34400, s6;
	s11 =	smul.u32 $0x50000, s1;
	s12 =	sshll.u32 s1, $0x6  }
0x7: {  	s8 =	smul.u32 $0x28000, s7;
	_ =	strace $0x80000047;
	s10 =	ssub.s32 $0x2, s7  }
0x8: {  	s13 =	smul.u32 $0x1400, s7;
	s9 =	sadd.s32 s5, s6;
	s31 =	sshrl.u32 s10, $0x1  }
0x9: {  	s11 =	sshrl.u32 s11, $0x2;
	s8 =	sadd.s32 s5, s8;
	s5 =	sadd.s32 $0x2C00, s6  }
0xa: {  	s10 =	ssub.s32 s10, s31;
	s11 =	sadd.s32 s11, s2;
	s9 =	sadd.s32 s13, s9  }
0xb: {  	s13 =	simm.s32 $0x200;
	s8 =	sadd.s32 s8, s6;
	s6 =	sor.u32 $0x1C01, s12  }
0xc: {  	s9 =	sadd.s32 $0xC400, s9;
	s12 =	simm.s32 $0x100;
	s7 =	sadd.s32 $0x5C400, s8  }
0xd: {  	s8 =	smax.u32 s10, $0x1;
	s10 =	sshrl.u32 s11, $0x3;
	s11 =	simm.s32 $0x1  }
.LBB2_1:
0xe: {  	[spmem:s10], [sflag:s6] =	dma.local [hbm:s5], $0x2800  }
0xf: {  	_ =	swait.ge [sflag:s11], $0x2800  }
0x10: {  	[sflag:s11] =	ssyncset.done $0x0  }
0x11: {  	[sflag:s11] =	ssyncadd.s32 $0xFFFFD800  }
0x12: {  	s15 =	sadd.s32 $0x0, s9;
	[bflag:$0x0] =	sbarrier.arrive $0xFFFF  }
0x13: {  	[tilespmem:s3], [sflag:$0x1] =	stream.linear.gather [hbm4b:s15+s3], $0x200, $0x38;
	[tilespmem:$0x1C200] =	vst v63  }
0x14: {  	_ =	swait.ge [sflag:s11], $0x200  }
0x15: {  	[sflag:s11] =	ssyncset.done $0x0  }
0x16: {  	[sflag:s11] =	ssyncadd.s32 $0xFFFFFE00  }
0x17: {  	[tilespmem:s13], [sflag:$0x1] =	stream.indirect.gather [hbm4b:s4+s12], $0x80, s3, s12, $0xb8;
	[tilespmem:$0x1C200] =	vst v63  }
0x18: {  	_ =	swait.ge [sflag:s11], $0x8000  }
0x19: {  	[sflag:s11] =	ssyncset.done $0x0  }
0x1a: {  	[sflag:s11] =	ssyncadd.s32 $0xFFFF8000  }
0x1b: {  	[spmem:s2] =	stream.indirect.scatter.add.f32 [tilespmem:s13], [sflag:$0x1], $0x80, s12, s12, $0xb8;
	[tilespmem:$0x1C200] =	vst v63  }
0x1c: {  	_ =	swait.ge [sflag:s11], $0x8000  }
0x1d: {  	s16 =	simm.s32 $0x80;
	s15 =	simm.s32 $0x40;
	[sflag:s11] =	ssyncset.done $0x0  }
.LBB2_2:
0x1e: {  	s17 =	sadd.s32 s15, s9  }
0x1f: {  	[sflag:s11] =	ssyncadd.s32 $0xFFFF8000;
	s15 =	smov.u32 s16;
	s18 =	sadd.s32 $0x40, s16  }
0x20: {  	[tilespmem:s3], [sflag:$0x1] =	stream.linear.gather [hbm4b:s17+s3], $0x200, $0x38;
	[tilespmem:$0x1C200] =	vst v63  }
0x21: {  	p0 =	sne.s32 s16, $0x13C0;
	_ =	swait.ge [sflag:s11], $0x200  }
0x22: {  	[sflag:s11] =	ssyncset.done $0x0  }
0x23: {  	[sflag:s11] =	ssyncadd.s32 $0xFFFFFE00  }
0x24: {  	[tilespmem:s13], [sflag:$0x1] =	stream.indirect.gather [hbm4b:s4+s12], $0x80, s3, s12, $0xb8;
	[tilespmem:$0x1C200] =	vst v63  }
0x25: {  	_ =	swait.ge [sflag:s11], $0x8000  }
.Ltmp0:
0x26: {  	[sflag:s11] =	ssyncset.done $0x0;
	(pc) =	sbr.rel @p0 .LBB2_2-.Ltmp0, $4  }
0x27: {  	[sflag:s11] =	ssyncadd.s32 $0xFFFF8000  }
0x28: {  	[spmem:s2] =	stream.indirect.scatter.add.f32 [tilespmem:s13], [sflag:$0x1], $0x80, s12, s12, $0xb8;
	[tilespmem:$0x1C200] =	vst v63  }
0x29: {  	_ =	swait.ge [sflag:s11], $0x8000  }
0x2a: {  	s16 =	smov.u32 s18;
	[sflag:s11] =	ssyncset.done $0x0  }
0x2b: {  	s15 =	sadd.s32 s15, s9;
	[sflag:s11] =	ssyncadd.s32 $0xFFFF8000  }
0x2c: {  	[tilespmem:s3], [sflag:$0x1] =	stream.linear.gather [hbm4b:s15+s3], $0x200, $0x38;
	[tilespmem:$0x1C200] =	vst v63  }
0x2d: {  	_ =	swait.ge [sflag:s11], $0x200  }
0x2e: {  	[sflag:s11] =	ssyncset.done $0x0  }
0x2f: {  	[sflag:s11] =	ssyncadd.s32 $0xFFFFFE00  }
0x30: {  	[tilespmem:s13], [sflag:$0x1] =	stream.indirect.gather [hbm4b:s4+s12], $0x80, s3, s12, $0xb8;
	[tilespmem:$0x1C200] =	vst v63  }
0x31: {  	_ =	swait.ge [sflag:s11], $0x8000  }
0x32: {  	[sflag:s11] =	ssyncset.done $0x0  }
0x33: {  	[sflag:s11] =	ssyncadd.s32 $0xFFFF8000  }
0x34: {  	[spmem:s2] =	stream.indirect.scatter.add.f32 [tilespmem:s13], [sflag:$0x1], $0x80, s12, s12, $0xb8;
	[tilespmem:$0x1C200] =	vst v63  }
0x35: {  	_ =	swait.ge [sflag:s11], $0x8000  }
0x36: {  	s14 =	sadd.s32 $0x1, s14;
	[sflag:s11] =	ssyncset.done $0x0  }
0x37: {  	p0 =	sne.s32 s14, s8;
	[sflag:s11] =	ssyncadd.s32 $0xFFFF8000  }
.Ltmp1:
0x38: {  	[bflag:$0x0] =	sbarrier.arrive $0xFFFF;
	(pc) =	sbr.rel @p0 .LBB2_1-.Ltmp1, $4  }
0x39: {  	[hbm:s7], [sflag:s6] =	dma.local [spmem:s10], $0x2800  }
0x3a: {  	_ =	swait.ge [sflag:s11], $0x2800  }
0x3b: {  	[sflag:s11] =	ssyncset.done $0x0  }
0x3c: {  	[sflag:s11] =	ssyncadd.s32 $0xFFFFD800  }
0x3d: {  	_ =	sfence.sel $0x180000  }
0x3e: {  	[bflag:$0x0] =	sbarrier.arrive $0xFFFF  }
0x3f: {  	p0 =	sne.s32 s1, $0x0;
	_ =	strace $0x90000047  }
0x40: {  	s0 =	sadd.s32 @!p0 $0x100000, s0;
	[bflag:$0x2] =	sbarrier.arrive $0xFFFF  }
0x41: {  	[sflag:s0] =	ssyncadd.tile.s32 @!p0 $0x1;
	_ =	shalt  }
.Lfunc_end2:
_tile_overlayer_lowered:
.L_overlay_start_2:
0x42: {  	(tag) =	ssettag $0x2  }
0x43: {  	s0 =	rddreg [dreg:$0x0];
	s2 =	stileid.u32  }
0x44: {  	s1 =	rddreg [dreg:$0x1];
	p0 =	sne.s32 s2, $0x0  }
0x45: {  	s3 =	rddreg [dreg:$0x2];
	[bflag:$0x3] =	sbarrier.arrive $0xFFFF;
	s2 =	simm.s32 @!p0 $0x1C01  }
0x46: {  	[timem:s3], [sflag:s2] =	dma.local @!p0 [hbm:s0], s1  }
0x47: {  	s0 =	simm.s32 @!p0 $0x1  }
0x48: {  	_ =	swait.ge @!p0 [sflag:s0], s1  }
0x49: {  	s1 =	ssub.s32 @!p0 $0x0, s1;
	[sflag:s0] =	ssyncset.done @!p0 $0x0  }
0x4a: {  	[sflag:s0] =	ssyncadd.s32 @!p0 s1  }
0x4b: {  	[bflag:$0x3] =	sbarrier.arrive $0xFFFF  }
0x4c: {  	_ =	shalt  }

</sc_bundles>
